<compile_context>
chip_gen: v7x
topology: tpu7x:2x2x1
jax: 0.10.2.dev20260603
libtpu: 0.0.44.dev20260713+nightly
codegen_flags: <defaults>
</compile_context>

<pallas_src>
import functools

import jax
import jax.numpy as jnp
from jax import lax
from jax.experimental import pallas as pl
from jax.experimental.pallas import tpu as pltpu
from jax.experimental.pallas import tpu_sc as plsc

_S = 5.0
_LN2 = 0.6931471805599453
_N = 4096
_NW = 32
_RPW = _N // _NW
_NG = _RPW // 16
_NV = _N // 16

_C5 = 4.39286278e-02
_C4 = -1.89832447e-01
_C3 = 4.11561482e-01
_C2 = -7.07253434e-01
_C1 = 1.44159208e+00
_C0 = 1.43909300e-05


def _sc_body(z_hbm, y_hbm, outs_hbm, outc_hbm, sz_v, y_v, res_s, res_c):
    wid = lax.axis_index("s") * 2 + lax.axis_index("c")
    base = wid * _RPW
    pltpu.sync_copy(z_hbm, sz_v.at[pl.ds(0, _N)])
    pltpu.sync_copy(y_hbm, y_v.at[pl.ds(0, _N)])

    def scale_body(v, carry):
        sl = pl.ds(v * 16, 16)
        sz_v[sl] = sz_v[sl] * jnp.float32(_S)
        return carry

    lax.fori_loop(0, _NV, scale_body, 0)
    sz_v[pl.ds(_N, 16)] = sz_v[pl.ds(0, 16)]
    y_v[pl.ds(_N, 16)] = y_v[pl.ds(0, 16)]

    def group_body(rg, accs):
        row0 = base + rg * 16
        zrow = sz_v[pl.ds(row0, 16)]
        yrow = y_v[pl.ds(row0, 16)]

        def col_body(k, accs2):
            s2, c2 = accs2
            zj = sz_v[pl.ds(k, 16)]
            yj = y_v[pl.ds(k, 16)]
            dy = yrow - yj
            dz = zj - zrow
            sb = lax.bitcast_convert_type(dy, jnp.uint32) & jnp.uint32(0x80000000)
            a = lax.bitcast_convert_type(
                lax.bitcast_convert_type(dz, jnp.uint32) ^ sb, jnp.float32)
            e = jnp.exp(a)
            w = 1.0 + e
            wb = lax.bitcast_convert_type(w, jnp.uint32)
            ex = (lax.shift_right_logical(wb, jnp.uint32(23)).astype(jnp.int32)
                  - 127).astype(jnp.float32)
            t = lax.bitcast_convert_type(
                (wb & jnp.uint32(0x007FFFFF)) | jnp.uint32(0x3F800000),
                jnp.float32) - 1.0
            p = ((((jnp.float32(_C5) * t + jnp.float32(_C4)) * t
                   + jnp.float32(_C3)) * t + jnp.float32(_C2)) * t
                 + jnp.float32(_C1)) * t + jnp.float32(_C0)
            v2 = ex + p
            mask = dy != 0.0
            s2 = s2 + jnp.where(mask, v2, 0.0)
            c2 = c2 + jnp.where(mask, 1.0, 0.0)
            return (s2, c2)

        return lax.fori_loop(0, _N, col_body, accs2 := accs)

    zero = jnp.zeros((16,), jnp.float32)
    s_acc, c_acc = lax.fori_loop(0, _NG, group_body, (zero, zero))
    res_s[...] = s_acc * jnp.float32(_LN2)
    res_c[...] = c_acc
    pltpu.sync_copy(res_s, outs_hbm.at[wid])
    pltpu.sync_copy(res_c, outc_hbm.at[wid])


@jax.jit
def kernel(z, y):
    z = z.reshape(-1)
    y = y.reshape(-1)
    mesh = plsc.VectorSubcoreMesh(core_axis_name="c", subcore_axis_name="s")
    sck = functools.partial(
        pl.kernel,
        mesh=mesh,
        out_type=[
            jax.ShapeDtypeStruct((_NW, 16), jnp.float32),
            jax.ShapeDtypeStruct((_NW, 16), jnp.float32),
        ],
        scratch_types=[
            pltpu.VMEM((_N + 16,), jnp.float32),
            pltpu.VMEM((_N + 16,), jnp.float32),
            pltpu.VMEM((16,), jnp.float32),
            pltpu.VMEM((16,), jnp.float32),
        ],
    )(_sc_body)
    outs, outc = sck(z, y)
    s = jnp.sum(outs)
    c = jnp.sum(outc)
    return jnp.where(c > 0, s / jnp.maximum(c, 1.0), 0.0)

# --- scband reference (transcript-rebuilt; emitter-appended) ---
"""Pipeline reference for scband-pairwise-rank-loss-90263032693438 (READ-ONLY COPY).

The authoritative reference and input builder live on the scoring server;
editing this copy changes nothing except your own understanding.
"""

import jax, jax.numpy as jnp
import numpy as np

S = 5.0
TOPK = 0

def setup_inputs(seed: int = 0) -> dict:
    key = jax.random.key(seed)
    k1, k2 = jax.random.split(key)
    z = jax.random.normal(k1, (4096,), dtype=jnp.float32)
    y = jax.random.normal(k2, (4096,), dtype=jnp.float32)
    return {"z": z, "y": y}

def reference(z, y):
    z = z.reshape(-1)
    y = y.reshape(-1)
    n = z.shape[0]
    if n <= 1:
        return jnp.asarray(0.0, dtype=jnp.float32)
    if TOPK and TOPK < n:
        err = jnp.abs(y - jax.lax.stop_gradient(z))
        _, idx = jax.lax.top_k(err, TOPK)
        z = z[idx]
        y = y[idx]
    diff = z[:, None] - z[None, :]
    sign = jnp.sign(jnp.clip(y[:, None] - y[None, :], -1.0, 1.0))
    mask = sign != 0
    vals = jnp.log1p(jnp.exp(-S * sign * diff))
    cnt = jnp.sum(mask)
    loss = jnp.where(cnt > 0, jnp.sum(jnp.where(mask, vals, 0.0)) / jnp.maximum(cnt, 1).astype(vals.dtype), 0.0)
    return loss

if __name__ == "__main__":
    import jax
    _d = setup_inputs()
    print(jax.jit(kernel)(*tuple(_d.values())))

</pallas_src>

<mosaic_0001>
#map = affine_map<(d0, d1) -> (0)>
#map1 = affine_map<(d0, d1) -> (0, 0)>
module attributes {stable_mosaic.version = 14 : i64} {
  func.func @_sc_body(%arg0: i32, %arg1: i32, %arg2: memref<4096xf32, #tpu.memory_space<hbm>>, %arg3: memref<4096xf32, #tpu.memory_space<hbm>>, %arg4: memref<32x16xf32, #tpu.memory_space<hbm>>, %arg5: memref<32x16xf32, #tpu.memory_space<hbm>>, %arg6: memref<4112xf32, #tpu.memory_space<vmem>>, %arg7: memref<4112xf32, #tpu.memory_space<vmem>>, %arg8: memref<16xf32, #tpu.memory_space<vmem>>, %arg9: memref<16xf32, #tpu.memory_space<vmem>>) attributes {dimension_semantics = [#tpu.dimension_semantics<core_parallel>, #tpu.dimension_semantics<subcore_parallel>], iteration_bounds = array<i64: 2, 16>, scalar_prefetch = 0 : i64, scratch_operands = 4 : i64, tpu.core_type = #tpu.core_type<sc_vector_subcore>, window_params = [{transform_indices = #map}, {transform_indices = #map}, {transform_indices = #map1}, {transform_indices = #map1}]} {
    %mul3A = arith.constant 2 : i32
    %mul3A_0 = arith.muli %arg1, %mul3A : i32
    %add3A = arith.addi %mul3A_0, %arg0 : i32
    %mul3A_1 = arith.constant 128 : i32
    %mul3A_2 = arith.muli %add3A, %mul3A_1 : i32
    "tpu.region"() ({
      %run_scoped3A = tpu.sem_alloc : memref<!tpu.dma_semaphore, #tpu.memory_space<semaphore_mem>>
      %dma_start3A = arith.constant 0 : i32
      %dma_start3A_38 = tpu.memref_slice %arg6[%dma_start3A] : memref<4112xf32, #tpu.memory_space<vmem>> -> memref<4096xf32, #tpu.memory_space<vmem>>
      %dma_start3A_39 = arith.constant 0 : i32
      %dma_start3A_40 = tpu.memref_slice %arg6[%dma_start3A_39] : memref<4112xf32, #tpu.memory_space<vmem>> -> memref<4096xf32, #tpu.memory_space<vmem>>
      tpu.enqueue_dma source(%arg2 : memref<4096xf32, #tpu.memory_space<hbm>>) target(%dma_start3A_40 : memref<4096xf32, #tpu.memory_space<vmem>>) target_semaphore(%run_scoped3A : memref<!tpu.dma_semaphore, #tpu.memory_space<semaphore_mem>>)
      %dma_wait3A = arith.constant 0 : i32
      %dma_wait3A_41 = tpu.memref_slice %arg6[%dma_wait3A] : memref<4112xf32, #tpu.memory_space<vmem>> -> memref<4096xf32, #tpu.memory_space<vmem>>
      %dma_wait3A_42 = arith.constant 0 : i32
      %dma_wait3A_43 = tpu.memref_slice %arg6[%dma_wait3A_42] : memref<4112xf32, #tpu.memory_space<vmem>> -> memref<4096xf32, #tpu.memory_space<vmem>>
      tpu.wait_dma2 semaphore(%run_scoped3A : memref<!tpu.dma_semaphore, #tpu.memory_space<semaphore_mem>>) src(%arg2 : memref<4096xf32, #tpu.memory_space<hbm>>) dst(%dma_wait3A_43 : memref<4096xf32, #tpu.memory_space<vmem>>)
      tpu.yield
    }) : () -> ()
    "tpu.region"() ({
      %run_scoped3A = tpu.sem_alloc : memref<!tpu.dma_semaphore, #tpu.memory_space<semaphore_mem>>
      %dma_start3A = arith.constant 0 : i32
      %dma_start3A_38 = tpu.memref_slice %arg7[%dma_start3A] : memref<4112xf32, #tpu.memory_space<vmem>> -> memref<4096xf32, #tpu.memory_space<vmem>>
      %dma_start3A_39 = arith.constant 0 : i32
      %dma_start3A_40 = tpu.memref_slice %arg7[%dma_start3A_39] : memref<4112xf32, #tpu.memory_space<vmem>> -> memref<4096xf32, #tpu.memory_space<vmem>>
      tpu.enqueue_dma source(%arg3 : memref<4096xf32, #tpu.memory_space<hbm>>) target(%dma_start3A_40 : memref<4096xf32, #tpu.memory_space<vmem>>) target_semaphore(%run_scoped3A : memref<!tpu.dma_semaphore, #tpu.memory_space<semaphore_mem>>)
      %dma_wait3A = arith.constant 0 : i32
      %dma_wait3A_41 = tpu.memref_slice %arg7[%dma_wait3A] : memref<4112xf32, #tpu.memory_space<vmem>> -> memref<4096xf32, #tpu.memory_space<vmem>>
      %dma_wait3A_42 = arith.constant 0 : i32
      %dma_wait3A_43 = tpu.memref_slice %arg7[%dma_wait3A_42] : memref<4112xf32, #tpu.memory_space<vmem>> -> memref<4096xf32, #tpu.memory_space<vmem>>
      tpu.wait_dma2 semaphore(%run_scoped3A : memref<!tpu.dma_semaphore, #tpu.memory_space<semaphore_mem>>) src(%arg3 : memref<4096xf32, #tpu.memory_space<hbm>>) dst(%dma_wait3A_43 : memref<4096xf32, #tpu.memory_space<vmem>>)
      tpu.yield
    }) : () -> ()
    %scan3A = arith.constant 0 : i32
    %scan3A_3 = arith.constant 0 : i32
    %scan3A_4 = arith.constant 256 : i32
    %scan3A_5 = arith.addi %scan3A_3, %scan3A_4 : i32
    %scan3A_6 = arith.constant 1 : i32
    scf.for %scan3A_38 = %scan3A_3 to %scan3A_5 step %scan3A_6  : i32 {
      %mul3A_39 = arith.constant 16 : i32
      %mul3A_40 = arith.muli %scan3A_38, %mul3A_39 : i32
      %get3A_41 = arith.index_cast %mul3A_40 : i32 to index
      %get3A_42 = tpu.vector_load %arg6[%get3A_41] {strides = array<i32>} : memref<4112xf32, #tpu.memory_space<vmem>>, vector<16xf32>,
      %get3A_43 = vector.shape_cast %get3A_42 : vector<16xf32> to vector<16xf32>
      %mul3A_44 = arith.constant 5.000000e+00 : f32
      %mul3A_45 = vector.broadcast %mul3A_44 : f32 to vector<16xf32>
      %mul3A_46 = arith.mulf %get3A_43, %mul3A_45 : vector<16xf32>
      %swap3A_47 = arith.index_cast %mul3A_40 : i32 to index
      %swap3A_48 = tpu.vector_load %arg6[%swap3A_47] {strides = array<i32>} : memref<4112xf32, #tpu.memory_space<vmem>>, vector<16xf32>,
      %swap3A_49 = vector.shape_cast %swap3A_48 : vector<16xf32> to vector<16xf32>
      %swap3A_50 = vector.shape_cast %mul3A_46 : vector<16xf32> to vector<16xf32>
      tpu.vector_store %arg6[%swap3A_47], %swap3A_50 {strides = array<i32>} : memref<4112xf32, #tpu.memory_space<vmem>>, vector<16xf32>,
    }
    %scan3A_7 = arith.constant 256 : i32
    %get3A = arith.constant 0 : index
    %get3A_8 = tpu.vector_load %arg6[%get3A] {strides = array<i32>} : memref<4112xf32, #tpu.memory_space<vmem>>, vector<16xf32>,
    %get3A_9 = vector.shape_cast %get3A_8 : vector<16xf32> to vector<16xf32>
    %swap3A = arith.constant 4096 : index
    %swap3A_10 = tpu.vector_load %arg6[%swap3A] {strides = array<i32>} : memref<4112xf32, #tpu.memory_space<vmem>>, vector<16xf32>,
    %swap3A_11 = vector.shape_cast %swap3A_10 : vector<16xf32> to vector<16xf32>
    %swap3A_12 = vector.shape_cast %get3A_9 : vector<16xf32> to vector<16xf32>
    tpu.vector_store %arg6[%swap3A], %swap3A_12 {strides = array<i32>} : memref<4112xf32, #tpu.memory_space<vmem>>, vector<16xf32>,
    %get3A_13 = arith.constant 0 : index
    %get3A_14 = tpu.vector_load %arg7[%get3A_13] {strides = array<i32>} : memref<4112xf32, #tpu.memory_space<vmem>>, vector<16xf32>,
    %get3A_15 = vector.shape_cast %get3A_14 : vector<16xf32> to vector<16xf32>
    %swap3A_16 = arith.constant 4096 : index
    %swap3A_17 = tpu.vector_load %arg7[%swap3A_16] {strides = array<i32>} : memref<4112xf32, #tpu.memory_space<vmem>>, vector<16xf32>,
    %swap3A_18 = vector.shape_cast %swap3A_17 : vector<16xf32> to vector<16xf32>
    %swap3A_19 = vector.shape_cast %get3A_15 : vector<16xf32> to vector<16xf32>
    tpu.vector_store %arg7[%swap3A_16], %swap3A_19 {strides = array<i32>} : memref<4112xf32, #tpu.memory_space<vmem>>, vector<16xf32>,
    %broadcast_in_dim3A = arith.constant 0.000000e+00 : f32
    %broadcast_in_dim3A_20 = vector.broadcast %broadcast_in_dim3A : f32 to vector<16xf32>
    %scan3A_21 = arith.constant 0 : i32
    %scan3A_22 = arith.constant 8 : i32
    %scan3A_23 = arith.addi %scan3A_21, %scan3A_22 : i32
    %scan3A_24 = arith.constant 1 : i32
    %scan3A_25:2 = scf.for %scan3A_38 = %scan3A_21 to %scan3A_23 step %scan3A_24 iter_args(%scan3A_39 = %broadcast_in_dim3A_20, %scan3A_40 = %broadcast_in_dim3A_20) -> (vector<16xf32>, vector<16xf32>)  : i32 {
      %mul3A_41 = arith.constant 16 : i32
      %mul3A_42 = arith.muli %scan3A_38, %mul3A_41 : i32
      %add3A_43 = arith.addi %mul3A_2, %mul3A_42 : i32
      %get3A_44 = arith.index_cast %add3A_43 : i32 to index
      %get3A_45 = tpu.vector_load %arg6[%get3A_44] {strides = array<i32>} : memref<4112xf32, #tpu.memory_space<vmem>>, vector<16xf32>,
      %get3A_46 = vector.shape_cast %get3A_45 : vector<16xf32> to vector<16xf32>
      %get3A_47 = arith.index_cast %add3A_43 : i32 to index
      %get3A_48 = tpu.vector_load %arg7[%get3A_47] {strides = array<i32>} : memref<4112xf32, #tpu.memory_space<vmem>>, vector<16xf32>,
      %get3A_49 = vector.shape_cast %get3A_48 : vector<16xf32> to vector<16xf32>
      %scan3A_50 = arith.constant 0 : i32
      %scan3A_51 = arith.constant 4096 : i32
      %scan3A_52 = arith.addi %scan3A_50, %scan3A_51 : i32
      %scan3A_53 = arith.constant 1 : i32
      %scan3A_54:2 = scf.for %scan3A_56 = %scan3A_50 to %scan3A_52 step %scan3A_53 iter_args(%scan3A_57 = %scan3A_39, %scan3A_58 = %scan3A_40) -> (vector<16xf32>, vector<16xf32>)  : i32 {
        %get3A_59 = arith.index_cast %scan3A_56 : i32 to index
        %get3A_60 = tpu.vector_load %arg6[%get3A_59] {strides = array<i32>} : memref<4112xf32, #tpu.memory_space<vmem>>, vector<16xf32>,
        %get3A_61 = vector.shape_cast %get3A_60 : vector<16xf32> to vector<16xf32>
        %get3A_62 = arith.index_cast %scan3A_56 : i32 to index
        %get3A_63 = tpu.vector_load %arg7[%get3A_62] {strides = array<i32>} : memref<4112xf32, #tpu.memory_space<vmem>>, vector<16xf32>,
        %get3A_64 = vector.shape_cast %get3A_63 : vector<16xf32> to vector<16xf32>
        %sub3A = arith.subf %get3A_49, %get3A_64 : vector<16xf32>
        %sub3A_65 = arith.subf %get3A_61, %get3A_46 : vector<16xf32>
        %bitcast_convert_type3A = tpu.bitcast %sub3A : vector<16xf32> -> vector<16xi32>
        %and3A = arith.constant -2147483648 : i32
        %and3A_66 = vector.broadcast %and3A : i32 to vector<16xi32>
        %and3A_67 = arith.andi %bitcast_convert_type3A, %and3A_66 : vector<16xi32>
        %bitcast_convert_type3A_68 = tpu.bitcast %sub3A_65 : vector<16xf32> -> vector<16xi32>
        %xor3A = arith.xori %bitcast_convert_type3A_68, %and3A_67 : vector<16xi32>
        %bitcast_convert_type3A_69 = tpu.bitcast %xor3A : vector<16xi32> -> vector<16xf32>
        %exp3A = math.exp %bitcast_convert_type3A_69 : vector<16xf32>
        %add3A_70 = arith.constant 1.000000e+00 : f32
        %add3A_71 = vector.broadcast %add3A_70 : f32 to vector<16xf32>
        %add3A_72 = arith.addf %add3A_71, %exp3A : vector<16xf32>
        %bitcast_convert_type3A_73 = tpu.bitcast %add3A_72 : vector<16xf32> -> vector<16xi32>
        %shift_right_logical3A = arith.constant 23 : i32
        %shift_right_logical3A_74 = vector.broadcast %shift_right_logical3A : i32 to vector<16xi32>
        %shift_right_logical3A_75 = arith.shrui %bitcast_convert_type3A_73, %shift_right_logical3A_74 : vector<16xi32>
        %sub3A_76 = arith.constant 127 : i32
        %sub3A_77 = vector.broadcast %sub3A_76 : i32 to vector<16xi32>
        %sub3A_78 = arith.subi %shift_right_logical3A_75, %sub3A_77 : vector<16xi32>
        %convert_element_type3A = arith.sitofp %sub3A_78 : vector<16xi32> to vector<16xf32>
        %and3A_79 = arith.constant 8388607 : i32
        %and3A_80 = vector.broadcast %and3A_79 : i32 to vector<16xi32>
        %and3A_81 = arith.andi %bitcast_convert_type3A_73, %and3A_80 : vector<16xi32>
        %or3A = arith.constant 1065353216 : i32
        %or3A_82 = vector.broadcast %or3A : i32 to vector<16xi32>
        %or3A_83 = arith.ori %and3A_81, %or3A_82 : vector<16xi32>
        %bitcast_convert_type3A_84 = tpu.bitcast %or3A_83 : vector<16xi32> -> vector<16xf32>
        %sub3A_85 = arith.constant 1.000000e+00 : f32
        %sub3A_86 = vector.broadcast %sub3A_85 : f32 to vector<16xf32>
        %sub3A_87 = arith.subf %bitcast_convert_type3A_84, %sub3A_86 : vector<16xf32>
        %mul3A_88 = arith.constant 0.0439286269 : f32
        %mul3A_89 = vector.broadcast %mul3A_88 : f32 to vector<16xf32>
        %mul3A_90 = arith.mulf %mul3A_89, %sub3A_87 : vector<16xf32>
        %add3A_91 = arith.constant -0.189832449 : f32
        %add3A_92 = vector.broadcast %add3A_91 : f32 to vector<16xf32>
        %add3A_93 = arith.addf %mul3A_90, %add3A_92 : vector<16xf32>
        %mul3A_94 = arith.mulf %add3A_93, %sub3A_87 : vector<16xf32>
        %add3A_95 = arith.constant 0.411561489 : f32
        %add3A_96 = vector.broadcast %add3A_95 : f32 to vector<16xf32>
        %add3A_97 = arith.addf %mul3A_94, %add3A_96 : vector<16xf32>
        %mul3A_98 = arith.mulf %add3A_97, %sub3A_87 : vector<16xf32>
        %add3A_99 = arith.constant -0.707253456 : f32
        %add3A_100 = vector.broadcast %add3A_99 : f32 to vector<16xf32>
        %add3A_101 = arith.addf %mul3A_98, %add3A_100 : vector<16xf32>
        %mul3A_102 = arith.mulf %add3A_101, %sub3A_87 : vector<16xf32>
        %add3A_103 = arith.constant 1.4415921 : f32
        %add3A_104 = vector.broadcast %add3A_103 : f32 to vector<16xf32>
        %add3A_105 = arith.addf %mul3A_102, %add3A_104 : vector<16xf32>
        %mul3A_106 = arith.mulf %add3A_105, %sub3A_87 : vector<16xf32>
        %add3A_107 = arith.constant 1.43909301E-5 : f32
        %add3A_108 = vector.broadcast %add3A_107 : f32 to vector<16xf32>
        %add3A_109 = arith.addf %mul3A_106, %add3A_108 : vector<16xf32>
        %add3A_110 = arith.addf %convert_element_type3A, %add3A_109 : vector<16xf32>
        %ne3A = arith.constant 0.000000e+00 : f32
        %ne3A_111 = vector.broadcast %ne3A : f32 to vector<16xf32>
        %ne3A_112 = arith.cmpf one, %sub3A, %ne3A_111 : vector<16xf32>
        %jit3A = arith.constant 0.000000e+00 : f32
        %broadcast_in_dim3A_113 = vector.broadcast %jit3A : f32 to vector<16xf32>
        %select_n3A = arith.select %ne3A_112, %add3A_110, %broadcast_in_dim3A_113 : vector<16xi1>, vector<16xf32>
        %add3A_114 = arith.addf %scan3A_57, %select_n3A : vector<16xf32>
        %jit3A_115 = arith.constant 1.000000e+00 : f32
        %jit3A_116 = arith.constant 0.000000e+00 : f32
        %broadcast_in_dim3A_117 = vector.broadcast %jit3A_115 : f32 to vector<16xf32>
        %broadcast_in_dim3A_118 = vector.broadcast %jit3A_116 : f32 to vector<16xf32>
        %select_n3A_119 = arith.select %ne3A_112, %broadcast_in_dim3A_117, %broadcast_in_dim3A_118 : vector<16xi1>, vector<16xf32>
        %add3A_120 = arith.addf %scan3A_58, %select_n3A_119 : vector<16xf32>
        scf.yield %add3A_114, %add3A_120 : vector<16xf32>, vector<16xf32>
      }
      %scan3A_55 = arith.constant 4096 : i32
      scf.yield %scan3A_54#0, %scan3A_54#1 : vector<16xf32>, vector<16xf32>
    }
    %scan3A_26 = arith.constant 8 : i32
    %mul3A_27 = arith.constant 0.693147182 : f32
    %mul3A_28 = vector.broadcast %mul3A_27 : f32 to vector<16xf32>
    %mul3A_29 = arith.mulf %scan3A_25#0, %mul3A_28 : vector<16xf32>
    %swap3A_30 = arith.constant 0 : index
    %swap3A_31 = tpu.vector_load %arg8[%swap3A_30] {strides = array<i32>} : memref<16xf32, #tpu.memory_space<vmem>>, vector<16xf32>,
    %swap3A_32 = vector.shape_cast %swap3A_31 : vector<16xf32> to vector<16xf32>
    %swap3A_33 = vector.shape_cast %mul3A_29 : vector<16xf32> to vector<16xf32>
    tpu.vector_store %arg8[%swap3A_30], %swap3A_33 {strides = array<i32>} : memref<16xf32, #tpu.memory_space<vmem>>, vector<16xf32>,
    %swap3A_34 = arith.constant 0 : index
    %swap3A_35 = tpu.vector_load %arg9[%swap3A_34] {strides = array<i32>} : memref<16xf32, #tpu.memory_space<vmem>>, vector<16xf32>,
    %swap3A_36 = vector.shape_cast %swap3A_35 : vector<16xf32> to vector<16xf32>
    %swap3A_37 = vector.shape_cast %scan3A_25#1 : vector<16xf32> to vector<16xf32>
    tpu.vector_store %arg9[%swap3A_34], %swap3A_37 {strides = array<i32>} : memref<16xf32, #tpu.memory_space<vmem>>, vector<16xf32>,
    "tpu.region"() ({
      %run_scoped3A = tpu.sem_alloc : memref<!tpu.dma_semaphore, #tpu.memory_space<semaphore_mem>>
      %dma_start3A = arith.constant 0 : i32
      %dma_start3A_38 = tpu.memref_slice %arg4[%add3A, %dma_start3A] : memref<32x16xf32, #tpu.memory_space<hbm>> -> memref<1x16xf32, #tpu.memory_space<hbm>>
      %dma_start3A_39 = tpu.memref_squeeze %dma_start3A_38 : memref<1x16xf32, #tpu.memory_space<hbm>> -> memref<16xf32, #tpu.memory_space<hbm>>
      %dma_start3A_40 = arith.constant 0 : i32
      %dma_start3A_41 = tpu.memref_slice %arg4[%add3A, %dma_start3A_40] : memref<32x16xf32, #tpu.memory_space<hbm>> -> memref<1x16xf32, #tpu.memory_space<hbm>>
      %dma_start3A_42 = tpu.memref_squeeze %dma_start3A_41 : memref<1x16xf32, #tpu.memory_space<hbm>> -> memref<16xf32, #tpu.memory_space<hbm>>
      tpu.enqueue_dma source(%arg8 : memref<16xf32, #tpu.memory_space<vmem>>) target(%dma_start3A_42 : memref<16xf32, #tpu.memory_space<hbm>>) target_semaphore(%run_scoped3A : memref<!tpu.dma_semaphore, #tpu.memory_space<semaphore_mem>>)
      %dma_wait3A = arith.constant 0 : i32
      %dma_wait3A_43 = tpu.memref_slice %arg4[%add3A, %dma_wait3A] : memref<32x16xf32, #tpu.memory_space<hbm>> -> memref<1x16xf32, #tpu.memory_space<hbm>>
      %dma_wait3A_44 = tpu.memref_squeeze %dma_wait3A_43 : memref<1x16xf32, #tpu.memory_space<hbm>> -> memref<16xf32, #tpu.memory_space<hbm>>
      %dma_wait3A_45 = arith.constant 0 : i32
      %dma_wait3A_46 = tpu.memref_slice %arg4[%add3A, %dma_wait3A_45] : memref<32x16xf32, #tpu.memory_space<hbm>> -> memref<1x16xf32, #tpu.memory_space<hbm>>
      %dma_wait3A_47 = tpu.memref_squeeze %dma_wait3A_46 : memref<1x16xf32, #tpu.memory_space<hbm>> -> memref<16xf32, #tpu.memory_space<hbm>>
      tpu.wait_dma2 semaphore(%run_scoped3A : memref<!tpu.dma_semaphore, #tpu.memory_space<semaphore_mem>>) src(%arg8 : memref<16xf32, #tpu.memory_space<vmem>>) dst(%dma_wait3A_47 : memref<16xf32, #tpu.memory_space<hbm>>)
      tpu.yield
    }) : () -> ()
    "tpu.region"() ({
      %run_scoped3A = tpu.sem_alloc : memref<!tpu.dma_semaphore, #tpu.memory_space<semaphore_mem>>
      %dma_start3A = arith.constant 0 : i32
      %dma_start3A_38 = tpu.memref_slice %arg5[%add3A, %dma_start3A] : memref<32x16xf32, #tpu.memory_space<hbm>> -> memref<1x16xf32, #tpu.memory_space<hbm>>
      %dma_start3A_39 = tpu.memref_squeeze %dma_start3A_38 : memref<1x16xf32, #tpu.memory_space<hbm>> -> memref<16xf32, #tpu.memory_space<hbm>>
      %dma_start3A_40 = arith.constant 0 : i32
      %dma_start3A_41 = tpu.memref_slice %arg5[%add3A, %dma_start3A_40] : memref<32x16xf32, #tpu.memory_space<hbm>> -> memref<1x16xf32, #tpu.memory_space<hbm>>
      %dma_start3A_42 = tpu.memref_squeeze %dma_start3A_41 : memref<1x16xf32, #tpu.memory_space<hbm>> -> memref<16xf32, #tpu.memory_space<hbm>>
      tpu.enqueue_dma source(%arg9 : memref<16xf32, #tpu.memory_space<vmem>>) target(%dma_start3A_42 : memref<16xf32, #tpu.memory_space<hbm>>) target_semaphore(%run_scoped3A : memref<!tpu.dma_semaphore, #tpu.memory_space<semaphore_mem>>)
      %dma_wait3A = arith.constant 0 : i32
      %dma_wait3A_43 = tpu.memref_slice %arg5[%add3A, %dma_wait3A] : memref<32x16xf32, #tpu.memory_space<hbm>> -> memref<1x16xf32, #tpu.memory_space<hbm>>
      %dma_wait3A_44 = tpu.memref_squeeze %dma_wait3A_43 : memref<1x16xf32, #tpu.memory_space<hbm>> -> memref<16xf32, #tpu.memory_space<hbm>>
      %dma_wait3A_45 = arith.constant 0 : i32
      %dma_wait3A_46 = tpu.memref_slice %arg5[%add3A, %dma_wait3A_45] : memref<32x16xf32, #tpu.memory_space<hbm>> -> memref<1x16xf32, #tpu.memory_space<hbm>>
      %dma_wait3A_47 = tpu.memref_squeeze %dma_wait3A_46 : memref<1x16xf32, #tpu.memory_space<hbm>> -> memref<16xf32, #tpu.memory_space<hbm>>
      tpu.wait_dma2 semaphore(%run_scoped3A : memref<!tpu.dma_semaphore, #tpu.memory_space<semaphore_mem>>) src(%arg9 : memref<16xf32, #tpu.memory_space<vmem>>) dst(%dma_wait3A_47 : memref<16xf32, #tpu.memory_space<hbm>>)
      tpu.yield
    }) : () -> ()
    return
  }
}

</mosaic_0001>

<sc_bundles>
// kernel: kernel.3.cloned.1.call-start
scs
__scs_entry_jumppad:
0x0: {  	(pc) =	sbr.rel $0x88, $3  }
0x1: {  	(tag) =	ssettag $0x0;
	lr =	simm.s32 $0x1  }
0x2: {  	[smem:$0x3F9F] =	sst lr;
	_ =	strace $0xD0000000  }
0x3: {  	_ = 	snop  }
0x4: {  	_ = 	snop  }
0x5: {  	_ = 	snop  }
0x6: {  	_ = 	snop  }
0x7: {  	_ = 	snop  }
__scs_overlays_trampoline_lowered:
0x8: {  	[smem:$0x3FAE] =	sst s0  }
0x9: {  	[smem:$0x3FAF] =	sst s1  }
0xa: {  	[smem:$0x3FB0] =	sst s2  }
0xb: {  	[smem:$0x3FB1] =	sst s3  }
0xc: {  	[smem:$0x3FB2] =	sst s4  }
0xd: {  	[smem:$0x3FB3] =	sst s5  }
0xe: {  	[smem:$0x3FB4] =	sst s6  }
0xf: {  	[smem:$0x3FB5] =	sst s7  }
0x10: {  	[smem:$0x3FB6] =	sst s8  }
0x11: {  	[smem:$0x3FB7] =	sst s9;
	s0 =	simm.s32 @!p0 $0x0  }
0x12: {  	s1 =	sld [smem:$0x3F9D];
	s0 =	simm.s32 @p0 $0x1  }
0x13: {  	[smem:$0x3FB8] =	sst s0;
	s0 =	simm.s32 @!p1 $0x0  }
0x14: {  	s2 =	sld [smem:$0x3F9C];
	s0 =	simm.s32 @p1 $0x1  }
0x15: {  	[smem:$0x3FB9] =	sst s0;
	s0 =	simm.s32 @!p2 $0x0  }
0x16: {  	s3 =	sld [smem:$0x3FDB];
	s0 =	simm.s32 @p2 $0x1  }
0x17: {  	s4 =	simm.s32 $0x1BF5;
	[smem:$0x3FBB] =	sst s0  }
0x18: {  	s0 =	sld [smem:$0x3F9E];
	_ =	swait.ge [sflag:s4], $0x0  }
0x19: {  	s7 =	sld [smem:$0x3F9F]  }
0x1a: {  	s8 =	sadd.s32 $0xFFFFE003, lr  }
0x1b: {  	s9 =	sadd.s32 $0xFFFFFEF7, lr;
	s5 =	simm.s32 $0xFFFFFFFF;
	p2 =	slt.u32 s8, $0xFFFFF086  }
0x1c: {  	p1 =	slt.u32 s9, $0xF7A;
	s5 =	simm.s32 @!p2 $0x0  }
0x1d: {  	s5 =	simm.s32 @p1 $0x1;
	p0 =	seq.s32 s7, s2  }
0x1e: {  	s7 =	smul.u32 @!p0 $0xF7A, s2;
	p2 =	seq.s32 @!p0 s5, $0x0  }
0x1f: {  	s9 =	smul.u32 $0xF7A, s1;
	s8 =	simm.s32 @!p0 $0x1BF5;
	p2 =	por !p2, p0  }
0x20: {  	[sflag:s8] =	ssyncset.s32 @!p0 $0xFFFFF086;
	s6 =	sadd.s32 @!p0 s3, s7;
	s7 =	simm.s32 @!p0 $0x108  }
0x21: {  	s3 =	sadd.s32 s3, s9;
	s6 =	sadd.s32 @!p0 $0x88, s6;
	s7 =	simm.s32 @p2 $0x1082  }
0x22: {  	[simem:s7], [sflag:s8] =	dma.local @!p0 [hbm:s6], $0xF7A  }
0x23: {  	s9 =	sor.u32 $0xD0000000, s2;
	s6 =	simm.s32 $0x108;
	_ =	swait.ge @!p0 [sflag:s8], $0x0  }
0x24: {  	s3 =	sadd.s32 $0x88, s3;
	s6 =	simm.s32 @!p1 $0x1082;
	[sflag:s4] =	ssyncset.s32 $0xFFFFF086  }
0x25: {  	[simem:s6], [sflag:s4] =	dma.local [hbm:s3], $0xF7A  }
0x26: {  	[smem:$0x3F9F] =	sst s1;
	(tag) =	ssettag s2;
	_ =	strace s9  }
0x27: {  	s1 =	sld [smem:$0x3FAF]  }
0x28: {  	s2 =	sld [smem:$0x3FB0]  }
0x29: {  	s4 =	sld [smem:$0x3FB2]  }
0x2a: {  	p0 =	seq.s32 s5, $0x0;
	s5 =	sld [smem:$0x3FB3]  }
0x2b: {  	s6 =	sld [smem:$0x3FB4]  }
0x2c: {  	s7 =	sld [smem:$0x3FB5]  }
0x2d: {  	s3 =	simm.s32 $0x108;
	s8 =	sld [smem:$0x3FB6]  }
0x2e: {  	s3 =	simm.s32 @!p0 $0x1082;
	s9 =	sld [smem:$0x3FB7]  }
0x2f: {  	lr =	sadd.s32 s0, s3;
	s0 =	sld [smem:$0x3FAE]  }
0x30: {  	s3 =	sld [smem:$0x3FB1]  }
0x31: {  	[smem:$0x3FBA] =	sst s10  }
0x32: {  	s10 =	sld [smem:$0x3FB8];
	_ =	sdelay $0x3  }
0x33: {  	p0 =	seq.s32 s10, $0x1;
	s10 =	sld [smem:$0x3FBA];
	_ =	sdelay $0x3  }
0x34: {  	[smem:$0x3FBA] =	sst s10  }
0x35: {  	s10 =	sld [smem:$0x3FB9];
	_ =	sdelay $0x3  }
0x36: {  	p1 =	seq.s32 s10, $0x1;
	s10 =	sld [smem:$0x3FBA];
	_ =	sdelay $0x3  }
0x37: {  	[smem:$0x3FBA] =	sst s10  }
0x38: {  	s10 =	sld [smem:$0x3FBB]  }
0x39: {  	_ = 	snop;
	(pc) =	sbr.ind lr, $3  }
0x3a: {  	_ = 	snop  }
0x3b: {  	_ = 	snop  }
0x3c: {  	p2 =	seq.s32 s10, $0x1;
	s10 =	sld [smem:$0x3FBA]  }
0x3d: {  	_ =	shalt  }
0x3e: {  	_ =	shalt  }
0x3f: {  	_ =	shalt  }
0x40: {  	_ =	shalt  }
0x41: {  	_ =	shalt  }
0x42: {  	_ =	shalt  }
0x43: {  	_ =	shalt  }
0x44: {  	_ =	shalt  }
0x45: {  	_ =	shalt  }
0x46: {  	_ =	shalt  }
0x47: {  	_ =	shalt  }
0x48: {  	_ =	shalt  }
0x49: {  	_ =	shalt  }
0x4a: {  	_ =	shalt  }
0x4b: {  	_ =	shalt  }
0x4c: {  	_ =	shalt  }
0x4d: {  	_ =	shalt  }
0x4e: {  	_ =	shalt  }
0x4f: {  	_ =	shalt  }
0x50: {  	_ =	shalt  }
0x51: {  	_ =	shalt  }
0x52: {  	_ =	shalt  }
0x53: {  	_ =	shalt  }
0x54: {  	_ =	shalt  }
0x55: {  	_ =	shalt  }
0x56: {  	_ =	shalt  }
0x57: {  	_ =	shalt  }
0x58: {  	_ =	shalt  }
0x59: {  	_ =	shalt  }
0x5a: {  	_ =	shalt  }
0x5b: {  	_ =	shalt  }
0x5c: {  	_ =	shalt  }
0x5d: {  	_ =	shalt  }
0x5e: {  	_ =	shalt  }
0x5f: {  	_ =	shalt  }
0x60: {  	_ =	shalt  }
0x61: {  	_ =	shalt  }
0x62: {  	_ =	shalt  }
0x63: {  	_ =	shalt  }
0x64: {  	_ =	shalt  }
0x65: {  	_ =	shalt  }
0x66: {  	_ =	shalt  }
0x67: {  	_ =	shalt  }
0x68: {  	_ =	shalt  }
0x69: {  	_ =	shalt  }
0x6a: {  	_ =	shalt  }
0x6b: {  	_ =	shalt  }
0x6c: {  	_ =	shalt  }
0x6d: {  	_ =	shalt  }
0x6e: {  	_ =	shalt  }
0x6f: {  	_ =	shalt  }
0x70: {  	_ =	shalt  }
0x71: {  	_ =	shalt  }
0x72: {  	_ =	shalt  }
0x73: {  	_ =	shalt  }
0x74: {  	_ =	shalt  }
0x75: {  	_ =	shalt  }
0x76: {  	_ =	shalt  }
0x77: {  	_ =	shalt  }
0x78: {  	_ =	shalt  }
0x79: {  	_ =	shalt  }
0x7a: {  	_ =	shalt  }
0x7b: {  	_ =	shalt  }
0x7c: {  	_ =	shalt  }
0x7d: {  	_ =	shalt  }
0x7e: {  	_ =	shalt  }
0x7f: {  	_ =	shalt  }
0x80: {  	_ =	shalt  }
0x81: {  	_ =	shalt  }
0x82: {  	_ =	shalt  }
0x83: {  	_ =	shalt  }
0x84: {  	_ =	shalt  }
0x85: {  	_ =	shalt  }
0x86: {  	_ =	shalt  }
0x87: {  	_ =	shalt  }
.Lfunc_end0:
.L_simem_size_0:
called_computation_lowered:
.L_overlay_start_0:
0x88: {  	s2 =	sld [smem:$0x3FD9]  }
0x89: {  	s3 =	sld [smem:$0x3FFE];
	_ =	sdelay $0x1  }
0x8a: {  	s1 =	srdreg.scid  }
0x8b: {  	s0 =	sand.u32 $0x1, s1  }
0x8c: {  	s17 =	sshll.u32 s0, $0xA;
	s2 =	sadd.s32 s3, s2  }
0x8d: {  	s2 =	sadd.s32 s2, s17  }
0x8e: {  	[smem:$0x3FC6] =	sst s2  }
0x8f: {  	_ = 	snop  }
0x90: {  	s2 =	sld [smem:$0x3FC9]  }
0x91: {  	s18 =	sld [smem:$0x3FC8];
	(tm) =	ssettm $0x1  }
0x92: {  	s4 =	sld [smem:$0x3FFB];
	_ =	sdelay $0x3  }
0x93: {  	_ =	strace s4  }
0x94: {  	s4 =	sld [smem:$0x3FFC];
	_ =	sdelay $0x3  }
0x95: {  	_ =	strace s4  }
0x96: {  	s4 =	sld [smem:$0x3FFD];
	_ =	sdelay $0x3  }
0x97: {  	_ =	strace s4  }
0x98: {  	_ =	strace $0x8FFFFFFF  }
0x99: {  	s19 =	sld [smem:$0x3FDB];
	_ =	sdelay $0x1  }
0x9a: {  	s5 =	simm.s32 $_scs_section_size  }
0x9b: {  	s6 =	simm.s32 $_size__tile_overlayer_lowered;
	s7 =	simm.s32 $_tile_overlayer_lowered  }
0x9c: {  	s22 =	simm.s32 $0x1BFF;
	s21 =	sshll.u32 s7, $0x1;
	s4 =	sadd.s32 s5, s19  }
0x9d: {  	s8 =	simm.s32 $0x0;
	s20 =	sshll.u32 s6, $0x1;
	s6 =	sadd.s32 s21, s4  }
0x9e: {  	[timem:s8], [sflag:s22] =	dma.local [hbm:s6], s20  }
0x9f: {  	_ =	swait.ge [sflag:s22], s20  }
0xa0: {  	s5 =	ssub.s32 $0x0, s20;
	[sflag:s22] =	ssyncset.done $0x0  }
0xa1: {  	[sflag:s22] =	ssyncadd.s32 s5;
	_ =	sdelay $0x1  }
0xa2: {  	s23 =	simm.s32 $0x1B8B  }
0xa3: {  	_ =	swait.ge [sflag:s23], $0x1  }
0xa4: {  	[sflag:s23] =	ssyncset.done $0x0  }
0xa5: {  	s25 =	simm.s32 $0x1B8E;
	s24 =	sld [smem:$0x3FFE];
	[sflag:s23] =	ssyncadd.s32 $0xFFFFFFFF  }
0xa6: {  	s26 =	simm.s32 $execute0_lowered;
	[smem:$0x3FD2] =	sst s25  }
0xa7: {  	s6 =	sshll.u32 s26, $0x1;
	_ =	strace $0x80000046;
	[dreg:$0x1] =	wrdreg $0xFFFFFFFF  }
0xa8: {  	s28 =	simm.s32 $_size_execute0_lowered;
	s4 =	sadd.s32 s4, s6;
	[dreg:$0x0] =	wrdreg $0x0  }
0xa9: {  	s6 =	sshll.u32 s28, $0x1;
	[dreg:$0x2] =	wrdreg s4  }
0xaa: {  	[dreg:$0x3] =	wrdreg s6  }
0xab: {  	[dreg:$0x4] =	wrdreg $0xC0  }
0xac: {  	_ =	task [dreg:s8], $0x5FFFF  }
0xad: {  	[dreg:$0x1] =	wrdreg $0xFFFFFFFF  }
0xae: {  	[dreg:$0x0] =	wrdreg $0x60  }
0xaf: {  	[dreg:$0x2] =	wrdreg s2  }
0xb0: {  	[dreg:$0x3] =	wrdreg s18  }
0xb1: {  	[dreg:$0x4] =	wrdreg s24  }
0xb2: {  	[dreg:$0x5] =	wrdreg $0x9  }
0xb3: {  	_ =	task.clear_ibuf [dreg:s8], $0x6FFFF;
	_ =	strace $0x90000046  }
0xb4: {  	s29 =	simm.s32 $0x9;
	_ =	strace $0x80000048  }
0xb5: {  	_ =	swait.ge [sflag:s29], $0x1  }
0xb6: {  	[sflag:s29] =	ssyncadd.s32 $0xFFFFFFFF  }
0xb7: {  	_ =	strace $0x90000048  }
0xb8: {  	_ =	sfence  }
0xb9: {  	s30 =	sld [smem:$0x0];
	_ =	sdelay $0x2  }
0xba: {  	s31 =	sshll.u32 s1, $0xD;
	s1 =	sshrl.u32 s1, $0x2  }
0xbb: {  	s3 =	sand.u32 $0x4000, s31;
	s1 =	sadd.s32 s1, s30  }
0xbc: {  	s0 =	sor.u32 s3, s0;
	s1 =	sshll.u32 s1, $0x11  }
0xbd: {  	s0 =	sor.u32 s1, s0  }
0xbe: {  	s0 =	sadd.s32 $0x8F2B, s0  }
0xbf: {  	[sflag:s0] =	ssyncadd.remote.s32 $0x1  }
0xc0: {  	_ =	sfence.sel $0xFFFF  }
0xc1: {  	[dreg:$0x0] =	wrdreg $0xFFFFFFFF;
	(pc) =	sbr.abs _section_cstart, $3  }
0xc2: {  	[dreg:$0x1] =	wrdreg $0xFFFFFFFF  }
0xc3: {  	_ =	task.clear_ibuf [dreg:s8], $0x2FFFF;
	_ =	strace $0x9FFFFFFF  }
0xc4: {  	(tm) =	ssettm $0x7FFFFFFF  }
0xc5: {  	_ =	shalt  }
tec
execute0_lowered:
.L_overlay_start_1:
0x0: {  	(tag) =	ssettag $0x1  }
0x1: {  	s1 =	rddreg [dreg:$0x0]  }
0x2: {  	s3 =	rddreg [dreg:$0x1]  }
0x3: {  	s2 =	srdreg.scid;
	s0 =	stileid.u32  }
0x4: {  	s5 =	rddreg [dreg:$0x2];
	s4 =	simm.s32 $0x0;
	s10 =	simm.s32 $0x2100  }
0x5: {  	s6 =	sand.u32 $0x1, s2;
	s7 =	sshll.u32 s0, $0x1;
	s2 =	rddreg [dreg:$0x3]  }
0x6: {  	s11 =	simm.s32 $0x2180;
	[smem:$0x7FF] =	sst s4;
	s7 =	sor.u32 s6, s7  }
0x7: {  	s6 =	ssub.s32 $0x2, s6;
	_ =	strace $0x80000047;
	s8 =	sshll.u32 s7, $0x4  }
0x8: {  	s9 =	sshrl.u32 s6, $0x1;
	s12 =	sshll.u32 s7, $0x7;
	s5 =	sadd.s32 s5, s8  }
0x9: {  	s31 =	ssub.s32 s6, s9;
	s8 =	simm.s32 $0x1;
	s9 =	simm.s32 $0x1080  }
0xa: {  	v0 =	vimm.f32 $0.0e+00;
	v1 =	vmov s12;
	s12 =	simm.s32 $0x0;
	s6 =	sadd.s32 $0x200, s5;
	s7 =	smax.u32 s31, $0x1  }
.LBB2_1:
0xb: {  	[tilespmem:s4], [sflag:$0x1] =	stream.linear.gather [hbm4b:s1+s4], $0x1000, $0x38;
	[tilespmem:$0x2200] =	vst v63  }
0xc: {  	_ =	swait.ge [sflag:s8], $0x1000  }
0xd: {  	[sflag:s8] =	ssyncset.done $0x0  }
0xe: {  	[sflag:s8] =	ssyncadd.s32 $0xFFFFF000  }
0xf: {  	[tilespmem:s9], [sflag:$0x1] =	stream.linear.gather [hbm4b:s3+s4], $0x1000, $0x38;
	[tilespmem:$0x2200] =	vst v63  }
0x10: {  	_ =	swait.ge [sflag:s8], $0x1000  }
0x11: {  	[sflag:s8] =	ssyncset.done $0x0  }
0x12: {  	s13 =	simm.s32 $0x0;
	s14 =	simm.s32 $0x40;
	[sflag:s8] =	ssyncadd.s32 $0xFFFFF000  }
.LBB2_2:
0x13: {  	p0 =	sne.s32 s14, $0x3FC0;
	v2 =	vld [tilespmem:s13+$0x0];
	_ =	sdelay $0x2  }
.Ltmp0:
0x14: {  	(pc) =	sbr.rel @p0 .LBB2_2-.Ltmp0, $3  }
0x15: {  	_ = 	snop  }
0x16: {  	v2 =	vmul.f32 $5.000000000e+00, v2;
	_ =	sdelay $0x1  }
0x17: {  	[tilespmem:s13+$0x0] =	vst v2;
	s13 =	sshra.s32 s14, $0x2;
	s14 =	sadd.s32 $0x40, s14  }
0x18: {  	v2 =	vld [tilespmem:s13+$0x0];
	_ =	sdelay $0x4  }
0x19: {  	v2 =	vmul.f32 $5.000000000e+00, v2;
	_ =	sdelay $0x1  }
0x1a: {  	[tilespmem:s13+$0x0] =	vst v2  }
0x1b: {  	v2 =	vld [tilespmem:$0x0]  }
0x1c: {  	v3 =	vld [tilespmem:$0x1080];
	_ =	sdelay $0x3  }
0x1d: {  	[tilespmem:$0x1000] =	vst v2  }
0x1e: {  	s13 =	simm.s32 $0x0;
	[tilespmem:$0x2080] =	vst v3;
	v2 =	vimm.f32 $0.0e+00;
	v3 =	vimm.f32 $0.0e+00  }
.LBB2_4:
0x1f: {  	_ =	sdelay $0x2  }
0x20: {  	s14 =	sshll.u32 s13, $0x4  }
0x21: {  	v8 =	vld.idx.msk [tilespmem:v1+s14+$0x0 ss:$0x1], $0xffff  }
0x22: {  	s28 =	simm.s32 $0x0;
	v10 =	vld.idx.msk [tilespmem:v1+s14+$0x1080 ss:$0x1], $0xffff  }
0x23: {  	v4 =	vld [tilespmem:s28+$0x1080]  }
0x24: {  	v5 =	vld [tilespmem:s28+$0x0];
	_ =	sdelay $0x3  }
0x25: {  	v7 =	vsub.f32 v10, v4  }
0x26: {  	v4 =	vsub.f32 v5, v8  }
0x27: {  	v5 =	vand.u32 $0x80000000, v7  }
0x28: {  	v4 =	vxor.u32 v4, v5  }
0x29: {  	s29 =	simm.s32 $0x1;
	v4 =	vmul.f32 $1.442695020e+00, v4  }
0x2a: {  	v5 =	vld [tilespmem:s29+$0x1080]  }
0x2b: {  	(erf) = vpow2.f32 v4  }
0x2c: {  	v4 =	vld [tilespmem:s29+$0x0];
	_ =	sdelay $0x2  }
0x2d: {  	v6 =	vsub.f32 v10, v5;
	_ =	sdelay $0x1  }
0x2e: {  	v5 =	vand.u32 $0x80000000, v6;
	v4 =	vsub.f32 v4, v8;
	_ =	sdelay $0x1  }
0x2f: {  	v4 =	vxor.u32 v4, v5  }
0x30: {  	s30 =	simm.s32 $0x2;
	v4 =	vmul.f32 $1.442695020e+00, v4;
	v5 =	vpop (erf)  }
0x31: {  	v13 =	vadd.f32 $1.000000000e+00, v5;
	v5 =	vld [tilespmem:s30+$0x1080]  }
0x32: {  	(erf) = vpow2.f32 v4  }
0x33: {  	v9 =	vld [tilespmem:s30+$0x0];
	v4 =	vand.u32 $0x7FFFFF, v13  }
0x34: {  	v4 =	vor.u32 $0x3F800000, v4  }
0x35: {  	v17 =	vadd.f32 $-1.000000000e+00, v4  }
0x36: {  	v4 =	vsub.f32 v10, v5  }
0x37: {  	v5 =	vmul.f32 $4.392862690e-02, v17  }
0x38: {  	v9 =	vsub.f32 v9, v8;
	v11 =	vand.u32 $0x80000000, v4  }
0x39: {  	v5 =	vadd.f32 $-1.898324490e-01, v5  }
0x3a: {  	v9 =	vxor.u32 v9, v11  }
0x3b: {  	s31 =	simm.s32 $0x3;
	v9 =	vmul.f32 $1.442695020e+00, v9;
	v11 =	vpop (erf);
	v5 =	vmul.f32 v5, v17  }
0x3c: {  	v14 =	vld [tilespmem:s31+$0x1080];
	v11 =	vadd.f32 $1.000000000e+00, v11  }
0x3d: {  	(erf) = vpow2.f32 v9;
	v9 =	vld [tilespmem:s31+$0x0];
	v5 =	vadd.f32 $4.115614890e-01, v5  }
0x3e: {  	v12 =	vand.u32 $0x7FFFFF, v11  }
0x3f: {  	v12 =	vor.u32 $0x3F800000, v12;
	v5 =	vmul.f32 v5, v17  }
0x40: {  	v12 =	vadd.f32 $-1.000000000e+00, v12  }
0x41: {  	v15 =	vadd.f32 $-7.072534560e-01, v5;
	v5 =	vsub.f32 v10, v14  }
0x42: {  	v9 =	vsub.f32 v9, v8  }
0x43: {  	v14 =	vmul.f32 $4.392862690e-02, v12;
	v16 =	vand.u32 $0x80000000, v5  }
0x44: {  	v15 =	vmul.f32 v15, v17;
	v9 =	vxor.u32 v9, v16  }
0x45: {  	v14 =	vadd.f32 $-1.898324490e-01, v14  }
0x46: {  	v18 =	vadd.f32 $1.441592100e+00, v15  }
0x47: {  	v15 =	vmul.f32 $1.442695020e+00, v9;
	v14 =	vmul.f32 v14, v12;
	v9 =	vpop (erf)  }
0x48: {  	s15 =	simm.s32 $0x4;
	s14 =	simm.s32 $0x14;
	v16 =	vshrl.u32 v13, $0x17;
	v13 =	vmul.f32 v18, v17;
	v9 =	vadd.f32 $1.000000000e+00, v9  }
.LBB2_5:
0x49: {  	p0 =	sne.s32 s14, $0x3FFC;
	v17 =	vld [tilespmem:s15+$0x1080];
	(erf) = vpow2.f32 v15;
	v14 =	vadd.f32 $4.115614890e-01, v14;
	v15 =	vadd.s32 $0xFFFFFF81, v16  }
0x4a: {  	v16 =	vld [tilespmem:s15+$0x0];
	v18 =	vand.u32 $0x7FFFFF, v9;
	v15 =	vcvt.s32.f32 v15;
	v13 =	vadd.f32 $1.439093010e-05, v13  }
0x4b: {  	vm0 =	vlt.f32 v7, $0.0e+00;
	v18 =	vor.u32 $0x3F800000, v18;
	v14 =	vmul.f32 v14, v12  }
0x4c: {  	vm1 =	vgt.f32 v7, $0.0e+00;
	v7 =	vmovc v6;
	v6 =	vmovc v4;
	v18 =	vadd.f32 $-1.000000000e+00, v18;
	v13 =	vadd.f32 v15, v13  }
0x4d: {  	v4 =	vmov v5;
	vm0 =	vmor vm1, vm0;
	v14 =	vadd.f32 $-7.072534560e-01, v14  }
0x4e: {  	v5 =	vsub.f32 v10, v17;
	v15 =	vmul.f32 $4.392862690e-02, v18;
	v13 =	vnsel vm0, $0x0, v13  }
.Ltmp1:
0x4f: {  	v16 =	vsub.f32 v16, v8;
	v14 =	vmul.f32 v14, v12;
	v3 =	vadd.f32 v13, v3;
	(pc) =	sbr.rel @p0 .LBB2_5-.Ltmp1, $4  }
0x50: {  	v13 =	vand.u32 $0x80000000, v5;
	v17 =	vadd.f32 $-1.898324490e-01, v15;
	v15 =	vsel vm0, $0x3F800000, v0  }
0x51: {  	v13 =	vxor.u32 v16, v13;
	v19 =	vadd.f32 $1.441592100e+00, v14;
	v2 =	vadd.f32 v15, v2  }
0x52: {  	v15 =	vmul.f32 $1.442695020e+00, v13;
	v20 =	vpop (erf);
	v14 =	vmul.f32 v17, v18  }
0x53: {  	s15 =	sshra.s32 s14, $0x2;
	s14 =	sadd.s32 $0x4, s14;
	v16 =	vshrl.u32 v11, $0x17;
	v11 =	vmovc v9;
	v13 =	vmul.f32 v19, v12;
	v12 =	vmovc v18;
	v9 =	vadd.f32 $1.000000000e+00, v20  }
0x54: {  	v17 =	vld [tilespmem:s15+$0x1080]  }
0x55: {  	v18 =	vld [tilespmem:s15+$0x0];
	_ =	sdelay $0x3  }
0x56: {  	v10 =	vsub.f32 v10, v17  }
0x57: {  	v8 =	vsub.f32 v18, v8  }
0x58: {  	v17 =	vand.u32 $0x80000000, v10  }
0x59: {  	(erf) = vpow2.f32 v15;
	v8 =	vxor.u32 v8, v17  }
0x5a: {  	v8 =	vmul.f32 $1.442695020e+00, v8;
	_ =	sdelay $0x1  }
0x5b: {  	(erf) = vpow2.f32 v8;
	_ =	sdelay $0x4  }
0x5c: {  	v14 =	vadd.f32 $4.115614890e-01, v14;
	v40 =	vadd.s32 $0xFFFFFF81, v16;
	v39 =	vand.u32 $0x7FFFFF, v9  }
0x5d: {  	vm0 =	vlt.f32 v7, $0.0e+00;
	vm1 =	vgt.f32 v7, $0.0e+00;
	v41 =	vpop (erf);
	v8 =	vor.u32 $0x3F800000, v39  }
0x5e: {  	v11 =	vshrl.u32 v11, $0x17;
	v16 =	vadd.f32 $1.000000000e+00, v41;
	v8 =	vadd.f32 $-1.000000000e+00, v8  }
0x5f: {  	vm8 =	vlt.f32 v6, $0.0e+00;
	v15 =	vcvt.s32.f32 v40;
	v13 =	vadd.f32 $1.439093010e-05, v13  }
0x60: {  	vm9 =	vgt.f32 v6, $0.0e+00;
	v44 =	vand.u32 $0x7FFFFF, v16;
	v42 =	vmul.f32 $4.392862690e-02, v8;
	v45 =	vpop (erf)  }
0x61: {  	v13 =	vadd.f32 v15, v13;
	v15 =	vor.u32 $0x3F800000, v44;
	v17 =	vadd.f32 $1.000000000e+00, v45  }
0x62: {  	vm10 =	vlt.f32 v4, $0.0e+00;
	v15 =	vadd.f32 $-1.000000000e+00, v15;
	v43 =	vadd.f32 $-1.898324490e-01, v42  }
0x63: {  	vm11 =	vgt.f32 v4, $0.0e+00;
	vm12 =	vlt.f32 v5, $0.0e+00;
	v46 =	vand.u32 $0x7FFFFF, v17  }
0x64: {  	v19 =	vmul.f32 $4.392862690e-02, v15;
	v7 =	vmul.f32 v43, v8;
	v18 =	vor.u32 $0x3F800000, v46  }
0x65: {  	vm13 =	vgt.f32 v5, $0.0e+00;
	v14 =	vmul.f32 v14, v12;
	v48 =	vadd.f32 $-1.000000000e+00, v18  }
0x66: {  	vm0 =	vmor vm1, vm0;
	v49 =	vadd.f32 $-1.898324490e-01, v19;
	v7 =	vadd.f32 $4.115614890e-01, v7  }
0x67: {  	v11 =	vadd.s32 $0xFFFFFF81, v11;
	v14 =	vadd.f32 $-7.072534560e-01, v14;
	v50 =	vmul.f32 $4.392862690e-02, v48  }
0x68: {  	v13 =	vnsel vm0, $0x0, v13;
	v51 =	vmul.f32 v49, v15;
	v7 =	vmul.f32 v7, v8  }
0x69: {  	v14 =	vmul.f32 v14, v12;
	v3 =	vadd.f32 v13, v3;
	v52 =	vadd.f32 $-1.898324490e-01, v50  }
0x6a: {  	v56 =	vshrl.u32 v9, $0x17;
	v13 =	vadd.f32 $4.115614890e-01, v51;
	v7 =	vadd.f32 $-7.072534560e-01, v7  }
0x6b: {  	v11 =	vcvt.s32.f32 v11;
	v14 =	vadd.f32 $1.441592100e+00, v14;
	v54 =	vmul.f32 v52, v48  }
0x6c: {  	v53 =	vsel vm0, $0x3F800000, v0;
	v55 =	vmul.f32 v13, v15;
	v7 =	vmul.f32 v7, v8  }
0x6d: {  	v2 =	vadd.f32 v53, v2;
	v47 =	vmul.f32 v14, v12;
	v6 =	vadd.f32 $4.115614890e-01, v54  }
0x6e: {  	v9 =	vadd.s32 $0xFFFFFF81, v56;
	v57 =	vadd.f32 $-7.072534560e-01, v55;
	v7 =	vadd.f32 $1.441592100e+00, v7  }
0x6f: {  	v9 =	vcvt.s32.f32 v9;
	v12 =	vadd.f32 $1.439093010e-05, v47;
	v6 =	vmul.f32 v6, v48  }
0x70: {  	vm0 =	vmor vm9, vm8;
	v7 =	vmul.f32 v7, v8;
	v8 =	vmul.f32 v57, v15  }
0x71: {  	v58 =	vsel vm0, $0x3F800000, v0;
	v11 =	vadd.f32 v11, v12;
	v6 =	vadd.f32 $-7.072534560e-01, v6  }
0x72: {  	v59 =	vshrl.u32 v16, $0x17;
	v7 =	vadd.f32 $1.439093010e-05, v7;
	v4 =	vadd.f32 $1.441592100e+00, v8  }
0x73: {  	v2 =	vadd.f32 v58, v2;
	v60 =	vadd.s32 $0xFFFFFF81, v59;
	v6 =	vmul.f32 v6, v48  }
0x74: {  	v11 =	vnsel vm0, $0x0, v11;
	v7 =	vadd.f32 v9, v7;
	v4 =	vmul.f32 v4, v15  }
0x75: {  	vm0 =	vmor vm11, vm10;
	v3 =	vadd.f32 v11, v3;
	v6 =	vadd.f32 $1.441592100e+00, v6  }
0x76: {  	v62 =	vshrl.u32 v17, $0x17;
	v7 =	vnsel vm0, $0x0, v7;
	v4 =	vadd.f32 $1.439093010e-05, v4  }
0x77: {  	v3 =	vadd.f32 v7, v3;
	v7 =	vcvt.s32.f32 v60;
	v6 =	vmul.f32 v6, v48  }
0x78: {  	s13 =	sadd.s32 $0x1, s13;
	vm14 =	vlt.f32 v10, $0.0e+00;
	v61 =	vsel vm0, $0x3F800000, v0;
	v5 =	vadd.s32 $0xFFFFFF81, v62  }
0x79: {  	p0 =	sne.s32 s13, $0x8;
	v5 =	vcvt.s32.f32 v5;
	v4 =	vadd.f32 v7, v4;
	v6 =	vadd.f32 $1.439093010e-05, v6  }
.Ltmp2:
0x7a: {  	vm15 =	vgt.f32 v10, $0.0e+00;
	v2 =	vadd.f32 v61, v2;
	vm0 =	vmor vm13, vm12;
	(pc) =	sbr.rel @p0 .LBB2_4-.Ltmp2, $4  }
0x7b: {  	v63 =	vsel vm0, $0x3F800000, v0;
	v4 =	vnsel vm0, $0x0, v4;
	v5 =	vadd.f32 v5, v6  }
0x7c: {  	v2 =	vadd.f32 v63, v2;
	vm0 =	vmor vm15, vm14;
	v3 =	vadd.f32 v4, v3  }
0x7d: {  	v4 =	vnsel vm0, $0x0, v5;
	v5 =	vsel vm0, $0x3F800000, v0  }
0x7e: {  	v3 =	vadd.f32 v4, v3;
	v2 =	vadd.f32 v5, v2  }
0x7f: {  	_ = 	snop  }
0x80: {  	v3 =	vmul.f32 $6.931471820e-01, v3  }
0x81: {  	[tilespmem:$0x2180] =	vst v2  }
0x82: {  	[tilespmem:$0x2100] =	vst v3  }
0x83: {  	[hbm4b:s5+s4] =	stream.linear.scatter [tilespmem:s10], [sflag:$0x1], $0x80, $0x38;
	[tilespmem:$0x2200] =	vst v63  }
0x84: {  	s12 =	sadd.s32 $0x1, s12;
	_ =	swait.ge [sflag:s8], $0x80  }
0x85: {  	p0 =	sne.s32 s12, s7;
	[sflag:s8] =	ssyncset.done $0x0  }
.Ltmp3:
0x86: {  	[sflag:s8] =	ssyncadd.s32 $0xFFFFFF80;
	(pc) =	sbr.rel @p0 .LBB2_1-.Ltmp3, $4  }
0x87: {  	[hbm4b:s6+s4] =	stream.linear.scatter [tilespmem:s11], [sflag:$0x1], $0x80, $0x38;
	[tilespmem:$0x2200] =	vst v63  }
0x88: {  	_ =	swait.ge [sflag:s8], $0x80  }
0x89: {  	[sflag:s8] =	ssyncset.done $0x0  }
0x8a: {  	[sflag:s8] =	ssyncadd.s32 $0xFFFFFF80  }
0x8b: {  	_ =	sfence.sel $0x180000  }
0x8c: {  	[bflag:$0x0] =	sbarrier.arrive $0xFFFF  }
0x8d: {  	p0 =	sne.s32 s0, $0x0;
	_ =	strace $0x90000047  }
0x8e: {  	s0 =	sadd.s32 @!p0 $0x100000, s2;
	[bflag:$0x2] =	sbarrier.arrive $0xFFFF  }
0x8f: {  	[sflag:s0] =	ssyncadd.tile.s32 @!p0 $0x1;
	_ =	shalt  }
.Lfunc_end2:
_tile_overlayer_lowered:
.L_overlay_start_2:
0x90: {  	(tag) =	ssettag $0x2  }
0x91: {  	s0 =	rddreg [dreg:$0x0];
	s2 =	stileid.u32  }
0x92: {  	s1 =	rddreg [dreg:$0x1];
	p0 =	sne.s32 s2, $0x0  }
0x93: {  	s3 =	rddreg [dreg:$0x2];
	[bflag:$0x3] =	sbarrier.arrive $0xFFFF;
	s2 =	simm.s32 @!p0 $0x1C01  }
0x94: {  	[timem:s3], [sflag:s2] =	dma.local @!p0 [hbm:s0], s1  }
0x95: {  	s0 =	simm.s32 @!p0 $0x1  }
0x96: {  	_ =	swait.ge @!p0 [sflag:s0], s1  }
0x97: {  	s1 =	ssub.s32 @!p0 $0x0, s1;
	[sflag:s0] =	ssyncset.done @!p0 $0x0  }
0x98: {  	[sflag:s0] =	ssyncadd.s32 @!p0 s1  }
0x99: {  	[bflag:$0x3] =	sbarrier.arrive $0xFFFF  }
0x9a: {  	_ =	shalt  }

</sc_bundles>
